<compile_context>
chip_gen: v7x
topology: tpu7x:2x2x1
jax: 0.10.2.dev20260603
libtpu: 0.0.44.dev20260713+nightly
codegen_flags: <defaults>
</compile_context>

<pallas_src>
import functools

import jax
import jax.numpy as jnp
from jax import lax
from jax.experimental import pallas as pl
from jax.experimental.pallas import tpu as pltpu
from jax.experimental.pallas import tpu_sc as plsc

VOCAB = 100000
EMBED = 64
HIDDEN = 128
CTX = 200

NC = 2
NS = 16
LANES = 16
NW = NC * NS
GSZ = 8
GROUPS = CTX // GSZ

BLK = 4000
KBLKS = VOCAB // BLK


def _sc_gather_sum(idx_pad, emb):
  mesh = plsc.VectorSubcoreMesh(
      core_axis_name="c", subcore_axis_name="s", num_cores=NC, num_subcores=NS
  )

  @functools.partial(
      pl.kernel,
      out_type=jax.ShapeDtypeStruct((NW, EMBED), jnp.float32),
      mesh=mesh,
      compiler_params=pltpu.CompilerParams(use_tc_tiling_on_sc=False),
      scratch_types=[
          pltpu.VMEM((GSZ,), jnp.int32),
          pltpu.VMEM((GSZ, EMBED), jnp.float32),
          pltpu.VMEM((EMBED,), jnp.float32),
          pltpu.SemaphoreType.DMA,
      ],
  )
  def k(idx_hbm, emb_hbm, out_hbm, idx_v, rows_v, acc_v, sem):
    c = lax.axis_index("c")
    s = lax.axis_index("s")
    w = s * NC + c
    base = w * GSZ
    pltpu.sync_copy(idx_hbm.at[pl.ds(base, GSZ)], idx_v)
    pltpu.async_copy(emb_hbm.at[idx_v], rows_v, sem).wait()
    valid = (w < GROUPS).astype(jnp.float32)
    for ch in range(EMBED // LANES):
      a = rows_v[0, pl.ds(ch * LANES, LANES)]
      for r in range(1, GSZ):
        a = a + rows_v[r, pl.ds(ch * LANES, LANES)]
      acc_v[pl.ds(ch * LANES, LANES)] = a * valid
    pltpu.sync_copy(acc_v, out_hbm.at[w])

  return k(idx_pad, emb)


def _tc_mlp(partials, W1, b1, W2, b2_blocked):

  def body(p_ref, w1_ref, b1_ref, w2_ref, b2_ref, out_ref, h_scr, ms_scr):
    i = pl.program_id(0)

    @pl.when(i == 0)
    def _():
      ctx = jnp.sum(p_ref[...], axis=0, keepdims=True)
      h = lax.dot_general(
          ctx, w1_ref[...], (((1,), (1,)), ((), ())),
          preferred_element_type=jnp.float32,
      ) + b1_ref[...]
      h_scr[...] = jnp.maximum(h, 0.0)
      ms_scr[0] = -jnp.inf
      ms_scr[1] = 0.0

    @pl.when(i < KBLKS)
    def _():
      h = h_scr[...]
      logits = lax.dot_general(
          h, w2_ref[...], (((1,), (1,)), ((), ())),
          preferred_element_type=jnp.float32,
      ) + b2_ref[0]
      m = ms_scr[0]
      s = ms_scr[1]
      bm = jnp.max(logits)
      new_m = jnp.maximum(m, bm)
      ms_scr[0] = new_m
      ms_scr[1] = s * jnp.exp(m - new_m) + jnp.sum(jnp.exp(logits - new_m))
      out_ref[pl.ds(i, 1), :] = logits

    @pl.when(i == KBLKS)
    def _():
      lse = ms_scr[0] + jnp.log(ms_scr[1])
      out_ref[...] = out_ref[...] - lse

  return pl.pallas_call(
      body,
      grid=(KBLKS + 1,),
      in_specs=[
          pl.BlockSpec((NW, EMBED), lambda i: (0, 0)),
          pl.BlockSpec((HIDDEN, EMBED), lambda i: (0, 0)),
          pl.BlockSpec((1, HIDDEN), lambda i: (0, 0)),
          pl.BlockSpec((BLK, HIDDEN), lambda i: (jnp.minimum(i, KBLKS - 1), 0)),
          pl.BlockSpec((1, 1, BLK), lambda i: (jnp.minimum(i, KBLKS - 1), 0, 0)),
      ],
      out_specs=pl.BlockSpec((KBLKS, BLK), lambda i: (0, 0)),
      out_shape=jax.ShapeDtypeStruct((KBLKS, BLK), jnp.float32),
      scratch_shapes=[
          pltpu.VMEM((1, HIDDEN), jnp.float32),
          pltpu.SMEM((2,), jnp.float32),
      ],
  )(partials, W1, b1, W2, b2_blocked)


def kernel(inputs, emb, W1, b1, W2, b2):
  idx = inputs.astype(jnp.int32)
  idx_pad = jnp.concatenate(
      [idx, jnp.zeros((NW * GSZ - CTX,), jnp.int32)]
  )
  partials = _sc_gather_sum(idx_pad, emb)
  b1r = b1.astype(jnp.float32).reshape(1, HIDDEN)
  b2r = b2.astype(jnp.float32).reshape(KBLKS, 1, BLK)
  out = _tc_mlp(partials, W1, b1r, W2, b2r)
  return out.reshape(1, VOCAB)

# --- scband reference (transcript-rebuilt; emitter-appended) ---
"""Pipeline reference for scband-cbow-12747462934692 (READ-ONLY COPY).

The authoritative reference and input builder live on the scoring server;
editing this copy changes nothing except your own understanding.
"""

import jax, jax.numpy as jnp
import numpy as np

VOCAB = 100000
EMBED_DIM = 64
HIDDEN = 128
CTX = 200


def setup_inputs(seed: int = 0) -> dict:
    key = jax.random.key(seed)
    k1, k2, k3, k4 = jax.random.split(key, 4)
    inputs = jax.random.randint(k1, (CTX,), 0, VOCAB, dtype=jnp.int64 if jax.config.read('jax_enable_x64') else jnp.int32)
    emb = jax.random.normal(k2, (VOCAB, EMBED_DIM), dtype=jnp.float32) * 0.02
    W1 = jax.random.normal(k3, (HIDDEN, EMBED_DIM), dtype=jnp.float32) * (1.0 / np.sqrt(EMBED_DIM))
    b1 = jnp.zeros((HIDDEN,), dtype=jnp.float32)
    W2 = jax.random.normal(k4, (VOCAB, HIDDEN), dtype=jnp.float32) * (1.0 / np.sqrt(HIDDEN))
    b2 = jnp.zeros((VOCAB,), dtype=jnp.float32)
    return {"inputs": inputs, "emb": emb, "W1": W1, "b1": b1, "W2": W2, "b2": b2}


def reference(inputs, emb, W1, b1, W2, b2):
    # torch: sum(self.embeddings(inputs)) sums over dim 0 -> [embed_dim], view(1,-1) -> [1, embed_dim]
    gathered = jnp.take(emb, inputs, axis=0)          # [CTX, EMBED_DIM] gather
    embeds = jnp.sum(gathered, axis=0).reshape(1, -1)  # [1, EMBED_DIM]
    x = embeds @ W1.T + b1                             # linear1 -> [1, HIDDEN]
    x = jax.nn.relu(x)
    x = x @ W2.T + b2                                  # linear2 -> [1, VOCAB]
    return jax.nn.log_softmax(x, axis=-1)

if __name__ == "__main__":
    import jax
    _d = setup_inputs()
    print(jax.jit(kernel)(*tuple(_d.values())))

</pallas_src>

<mosaic_0001>
#map = affine_map<(d0, d1) -> (0)>
#map1 = affine_map<(d0, d1) -> (0, 0)>
module attributes {stable_mosaic.version = 14 : i64} {
  func.func @k(%arg0: i32, %arg1: i32, %arg2: memref<256xi32, #tpu.memory_space<hbm>>, %arg3: memref<100000x64xf32, #tpu.memory_space<hbm>>, %arg4: memref<32x64xf32, #tpu.memory_space<hbm>>, %arg5: memref<8xi32, #tpu.memory_space<vmem>>, %arg6: memref<8x64xf32, #tpu.memory_space<vmem>>, %arg7: memref<64xf32, #tpu.memory_space<vmem>>, %arg8: memref<!tpu.dma_semaphore, #tpu.memory_space<semaphore_mem>>) attributes {dimension_semantics = [#tpu.dimension_semantics<core_parallel>, #tpu.dimension_semantics<subcore_parallel>], iteration_bounds = array<i64: 2, 16>, scalar_prefetch = 0 : i64, scratch_operands = 4 : i64, tpu.core_type = #tpu.core_type<sc_vector_subcore>, window_params = [{transform_indices = #map}, {transform_indices = #map1}, {transform_indices = #map1}]} {
    %mul3A = arith.constant 2 : i32
    %mul3A_0 = arith.muli %arg1, %mul3A : i32
    %add3A = arith.addi %mul3A_0, %arg0 : i32
    %mul3A_1 = arith.constant 8 : i32
    %mul3A_2 = arith.muli %add3A, %mul3A_1 : i32
    "tpu.region"() ({
      %run_scoped3A = tpu.sem_alloc : memref<!tpu.dma_semaphore, #tpu.memory_space<semaphore_mem>>
      %dma_start3A_219 = tpu.memref_slice %arg2[%mul3A_2] : memref<256xi32, #tpu.memory_space<hbm>> -> memref<8xi32, #tpu.memory_space<hbm>>
      %dma_start3A_220 = tpu.memref_slice %arg2[%mul3A_2] : memref<256xi32, #tpu.memory_space<hbm>> -> memref<8xi32, #tpu.memory_space<hbm>>
      tpu.enqueue_dma source(%dma_start3A_220 : memref<8xi32, #tpu.memory_space<hbm>>) target(%arg5 : memref<8xi32, #tpu.memory_space<vmem>>) target_semaphore(%run_scoped3A : memref<!tpu.dma_semaphore, #tpu.memory_space<semaphore_mem>>)
      %dma_wait3A_221 = tpu.memref_slice %arg2[%mul3A_2] : memref<256xi32, #tpu.memory_space<hbm>> -> memref<8xi32, #tpu.memory_space<hbm>>
      %dma_wait3A_222 = tpu.memref_slice %arg2[%mul3A_2] : memref<256xi32, #tpu.memory_space<hbm>> -> memref<8xi32, #tpu.memory_space<hbm>>
      tpu.wait_dma2 semaphore(%run_scoped3A : memref<!tpu.dma_semaphore, #tpu.memory_space<semaphore_mem>>) src(%dma_wait3A_222 : memref<8xi32, #tpu.memory_space<hbm>>) dst(%arg5 : memref<8xi32, #tpu.memory_space<vmem>>)
      tpu.yield
    }) : () -> ()
    %dma_start3A = arith.constant 0 : i32
    %dma_start3A_3 = arith.constant 0 : i32
    %dma_start3A_4 = tpu.memref_slice %arg3[%dma_start3A, %dma_start3A_3] : memref<100000x64xf32, #tpu.memory_space<hbm>> -> memref<100000x64xf32, #tpu.memory_space<hbm>>
    tpu.enqueue_indirect_dma source(%dma_start3A_4 : memref<100000x64xf32, #tpu.memory_space<hbm>>) target(%arg6 : memref<8x64xf32, #tpu.memory_space<vmem>>) offsets(%arg5 : memref<8xi32, #tpu.memory_space<vmem>>) semaphore(%arg8 : memref<!tpu.dma_semaphore, #tpu.memory_space<semaphore_mem>>)
    %dma_wait3A = arith.constant 0 : i32
    %dma_wait3A_5 = arith.constant 0 : i32
    %dma_wait3A_6 = tpu.memref_slice %arg3[%dma_wait3A, %dma_wait3A_5] : memref<100000x64xf32, #tpu.memory_space<hbm>> -> memref<100000x64xf32, #tpu.memory_space<hbm>>
    tpu.wait_indirect_dma semaphore(%arg8 : memref<!tpu.dma_semaphore, #tpu.memory_space<semaphore_mem>>) src(%dma_wait3A_6 : memref<100000x64xf32, #tpu.memory_space<hbm>>) dst(%arg6 : memref<8x64xf32, #tpu.memory_space<vmem>>)
    %lt3A = arith.constant 25 : i32
    %lt3A_7 = arith.cmpi slt, %add3A, %lt3A : i32
    %convert_element_type3A = arith.extui %lt3A_7 : i1 to i32
    %convert_element_type3A_8 = arith.sitofp %convert_element_type3A : i32 to f32
    %get3A = arith.constant 0 : i32
    %get3A_9 = arith.index_cast %get3A : i32 to index
    %get3A_10 = arith.constant 0 : index
    %get3A_11 = tpu.vector_load %arg6[%get3A_9, %get3A_10] {strides = array<i32>} : memref<8x64xf32, #tpu.memory_space<vmem>>, vector<1x16xf32>,
    %get3A_12 = vector.shape_cast %get3A_11 : vector<1x16xf32> to vector<16xf32>
    %get3A_13 = arith.constant 1 : i32
    %get3A_14 = arith.index_cast %get3A_13 : i32 to index
    %get3A_15 = arith.constant 0 : index
    %get3A_16 = tpu.vector_load %arg6[%get3A_14, %get3A_15] {strides = array<i32>} : memref<8x64xf32, #tpu.memory_space<vmem>>, vector<1x16xf32>,
    %get3A_17 = vector.shape_cast %get3A_16 : vector<1x16xf32> to vector<16xf32>
    %add3A_18 = arith.addf %get3A_12, %get3A_17 : vector<16xf32>
    %get3A_19 = arith.constant 2 : i32
    %get3A_20 = arith.index_cast %get3A_19 : i32 to index
    %get3A_21 = arith.constant 0 : index
    %get3A_22 = tpu.vector_load %arg6[%get3A_20, %get3A_21] {strides = array<i32>} : memref<8x64xf32, #tpu.memory_space<vmem>>, vector<1x16xf32>,
    %get3A_23 = vector.shape_cast %get3A_22 : vector<1x16xf32> to vector<16xf32>
    %add3A_24 = arith.addf %add3A_18, %get3A_23 : vector<16xf32>
    %get3A_25 = arith.constant 3 : i32
    %get3A_26 = arith.index_cast %get3A_25 : i32 to index
    %get3A_27 = arith.constant 0 : index
    %get3A_28 = tpu.vector_load %arg6[%get3A_26, %get3A_27] {strides = array<i32>} : memref<8x64xf32, #tpu.memory_space<vmem>>, vector<1x16xf32>,
    %get3A_29 = vector.shape_cast %get3A_28 : vector<1x16xf32> to vector<16xf32>
    %add3A_30 = arith.addf %add3A_24, %get3A_29 : vector<16xf32>
    %get3A_31 = arith.constant 4 : i32
    %get3A_32 = arith.index_cast %get3A_31 : i32 to index
    %get3A_33 = arith.constant 0 : index
    %get3A_34 = tpu.vector_load %arg6[%get3A_32, %get3A_33] {strides = array<i32>} : memref<8x64xf32, #tpu.memory_space<vmem>>, vector<1x16xf32>,
    %get3A_35 = vector.shape_cast %get3A_34 : vector<1x16xf32> to vector<16xf32>
    %add3A_36 = arith.addf %add3A_30, %get3A_35 : vector<16xf32>
    %get3A_37 = arith.constant 5 : i32
    %get3A_38 = arith.index_cast %get3A_37 : i32 to index
    %get3A_39 = arith.constant 0 : index
    %get3A_40 = tpu.vector_load %arg6[%get3A_38, %get3A_39] {strides = array<i32>} : memref<8x64xf32, #tpu.memory_space<vmem>>, vector<1x16xf32>,
    %get3A_41 = vector.shape_cast %get3A_40 : vector<1x16xf32> to vector<16xf32>
    %add3A_42 = arith.addf %add3A_36, %get3A_41 : vector<16xf32>
    %get3A_43 = arith.constant 6 : i32
    %get3A_44 = arith.index_cast %get3A_43 : i32 to index
    %get3A_45 = arith.constant 0 : index
    %get3A_46 = tpu.vector_load %arg6[%get3A_44, %get3A_45] {strides = array<i32>} : memref<8x64xf32, #tpu.memory_space<vmem>>, vector<1x16xf32>,
    %get3A_47 = vector.shape_cast %get3A_46 : vector<1x16xf32> to vector<16xf32>
    %add3A_48 = arith.addf %add3A_42, %get3A_47 : vector<16xf32>
    %get3A_49 = arith.constant 7 : i32
    %get3A_50 = arith.index_cast %get3A_49 : i32 to index
    %get3A_51 = arith.constant 0 : index
    %get3A_52 = tpu.vector_load %arg6[%get3A_50, %get3A_51] {strides = array<i32>} : memref<8x64xf32, #tpu.memory_space<vmem>>, vector<1x16xf32>,
    %get3A_53 = vector.shape_cast %get3A_52 : vector<1x16xf32> to vector<16xf32>
    %add3A_54 = arith.addf %add3A_48, %get3A_53 : vector<16xf32>
    %mul3A_55 = vector.broadcast %convert_element_type3A_8 : f32 to vector<16xf32>
    %mul3A_56 = arith.mulf %add3A_54, %mul3A_55 : vector<16xf32>
    %swap3A = arith.constant 0 : index
    %swap3A_57 = tpu.vector_load %arg7[%swap3A] {strides = array<i32>} : memref<64xf32, #tpu.memory_space<vmem>>, vector<16xf32>,
    %swap3A_58 = vector.shape_cast %swap3A_57 : vector<16xf32> to vector<16xf32>
    %swap3A_59 = vector.shape_cast %mul3A_56 : vector<16xf32> to vector<16xf32>
    tpu.vector_store %arg7[%swap3A], %swap3A_59 {strides = array<i32>} : memref<64xf32, #tpu.memory_space<vmem>>, vector<16xf32>,
    %get3A_60 = arith.constant 0 : i32
    %get3A_61 = arith.index_cast %get3A_60 : i32 to index
    %get3A_62 = arith.constant 16 : index
    %get3A_63 = tpu.vector_load %arg6[%get3A_61, %get3A_62] {strides = array<i32>} : memref<8x64xf32, #tpu.memory_space<vmem>>, vector<1x16xf32>,
    %get3A_64 = vector.shape_cast %get3A_63 : vector<1x16xf32> to vector<16xf32>
    %get3A_65 = arith.constant 1 : i32
    %get3A_66 = arith.index_cast %get3A_65 : i32 to index
    %get3A_67 = arith.constant 16 : index
    %get3A_68 = tpu.vector_load %arg6[%get3A_66, %get3A_67] {strides = array<i32>} : memref<8x64xf32, #tpu.memory_space<vmem>>, vector<1x16xf32>,
    %get3A_69 = vector.shape_cast %get3A_68 : vector<1x16xf32> to vector<16xf32>
    %add3A_70 = arith.addf %get3A_64, %get3A_69 : vector<16xf32>
    %get3A_71 = arith.constant 2 : i32
    %get3A_72 = arith.index_cast %get3A_71 : i32 to index
    %get3A_73 = arith.constant 16 : index
    %get3A_74 = tpu.vector_load %arg6[%get3A_72, %get3A_73] {strides = array<i32>} : memref<8x64xf32, #tpu.memory_space<vmem>>, vector<1x16xf32>,
    %get3A_75 = vector.shape_cast %get3A_74 : vector<1x16xf32> to vector<16xf32>
    %add3A_76 = arith.addf %add3A_70, %get3A_75 : vector<16xf32>
    %get3A_77 = arith.constant 3 : i32
    %get3A_78 = arith.index_cast %get3A_77 : i32 to index
    %get3A_79 = arith.constant 16 : index
    %get3A_80 = tpu.vector_load %arg6[%get3A_78, %get3A_79] {strides = array<i32>} : memref<8x64xf32, #tpu.memory_space<vmem>>, vector<1x16xf32>,
    %get3A_81 = vector.shape_cast %get3A_80 : vector<1x16xf32> to vector<16xf32>
    %add3A_82 = arith.addf %add3A_76, %get3A_81 : vector<16xf32>
    %get3A_83 = arith.constant 4 : i32
    %get3A_84 = arith.index_cast %get3A_83 : i32 to index
    %get3A_85 = arith.constant 16 : index
    %get3A_86 = tpu.vector_load %arg6[%get3A_84, %get3A_85] {strides = array<i32>} : memref<8x64xf32, #tpu.memory_space<vmem>>, vector<1x16xf32>,
    %get3A_87 = vector.shape_cast %get3A_86 : vector<1x16xf32> to vector<16xf32>
    %add3A_88 = arith.addf %add3A_82, %get3A_87 : vector<16xf32>
    %get3A_89 = arith.constant 5 : i32
    %get3A_90 = arith.index_cast %get3A_89 : i32 to index
    %get3A_91 = arith.constant 16 : index
    %get3A_92 = tpu.vector_load %arg6[%get3A_90, %get3A_91] {strides = array<i32>} : memref<8x64xf32, #tpu.memory_space<vmem>>, vector<1x16xf32>,
    %get3A_93 = vector.shape_cast %get3A_92 : vector<1x16xf32> to vector<16xf32>
    %add3A_94 = arith.addf %add3A_88, %get3A_93 : vector<16xf32>
    %get3A_95 = arith.constant 6 : i32
    %get3A_96 = arith.index_cast %get3A_95 : i32 to index
    %get3A_97 = arith.constant 16 : index
    %get3A_98 = tpu.vector_load %arg6[%get3A_96, %get3A_97] {strides = array<i32>} : memref<8x64xf32, #tpu.memory_space<vmem>>, vector<1x16xf32>,
    %get3A_99 = vector.shape_cast %get3A_98 : vector<1x16xf32> to vector<16xf32>
    %add3A_100 = arith.addf %add3A_94, %get3A_99 : vector<16xf32>
    %get3A_101 = arith.constant 7 : i32
    %get3A_102 = arith.index_cast %get3A_101 : i32 to index
    %get3A_103 = arith.constant 16 : index
    %get3A_104 = tpu.vector_load %arg6[%get3A_102, %get3A_103] {strides = array<i32>} : memref<8x64xf32, #tpu.memory_space<vmem>>, vector<1x16xf32>,
    %get3A_105 = vector.shape_cast %get3A_104 : vector<1x16xf32> to vector<16xf32>
    %add3A_106 = arith.addf %add3A_100, %get3A_105 : vector<16xf32>
    %mul3A_107 = vector.broadcast %convert_element_type3A_8 : f32 to vector<16xf32>
    %mul3A_108 = arith.mulf %add3A_106, %mul3A_107 : vector<16xf32>
    %swap3A_109 = arith.constant 16 : index
    %swap3A_110 = tpu.vector_load %arg7[%swap3A_109] {strides = array<i32>} : memref<64xf32, #tpu.memory_space<vmem>>, vector<16xf32>,
    %swap3A_111 = vector.shape_cast %swap3A_110 : vector<16xf32> to vector<16xf32>
    %swap3A_112 = vector.shape_cast %mul3A_108 : vector<16xf32> to vector<16xf32>
    tpu.vector_store %arg7[%swap3A_109], %swap3A_112 {strides = array<i32>} : memref<64xf32, #tpu.memory_space<vmem>>, vector<16xf32>,
    %get3A_113 = arith.constant 0 : i32
    %get3A_114 = arith.index_cast %get3A_113 : i32 to index
    %get3A_115 = arith.constant 32 : index
    %get3A_116 = tpu.vector_load %arg6[%get3A_114, %get3A_115] {strides = array<i32>} : memref<8x64xf32, #tpu.memory_space<vmem>>, vector<1x16xf32>,
    %get3A_117 = vector.shape_cast %get3A_116 : vector<1x16xf32> to vector<16xf32>
    %get3A_118 = arith.constant 1 : i32
    %get3A_119 = arith.index_cast %get3A_118 : i32 to index
    %get3A_120 = arith.constant 32 : index
    %get3A_121 = tpu.vector_load %arg6[%get3A_119, %get3A_120] {strides = array<i32>} : memref<8x64xf32, #tpu.memory_space<vmem>>, vector<1x16xf32>,
    %get3A_122 = vector.shape_cast %get3A_121 : vector<1x16xf32> to vector<16xf32>
    %add3A_123 = arith.addf %get3A_117, %get3A_122 : vector<16xf32>
    %get3A_124 = arith.constant 2 : i32
    %get3A_125 = arith.index_cast %get3A_124 : i32 to index
    %get3A_126 = arith.constant 32 : index
    %get3A_127 = tpu.vector_load %arg6[%get3A_125, %get3A_126] {strides = array<i32>} : memref<8x64xf32, #tpu.memory_space<vmem>>, vector<1x16xf32>,
    %get3A_128 = vector.shape_cast %get3A_127 : vector<1x16xf32> to vector<16xf32>
    %add3A_129 = arith.addf %add3A_123, %get3A_128 : vector<16xf32>
    %get3A_130 = arith.constant 3 : i32
    %get3A_131 = arith.index_cast %get3A_130 : i32 to index
    %get3A_132 = arith.constant 32 : index
    %get3A_133 = tpu.vector_load %arg6[%get3A_131, %get3A_132] {strides = array<i32>} : memref<8x64xf32, #tpu.memory_space<vmem>>, vector<1x16xf32>,
    %get3A_134 = vector.shape_cast %get3A_133 : vector<1x16xf32> to vector<16xf32>
    %add3A_135 = arith.addf %add3A_129, %get3A_134 : vector<16xf32>
    %get3A_136 = arith.constant 4 : i32
    %get3A_137 = arith.index_cast %get3A_136 : i32 to index
    %get3A_138 = arith.constant 32 : index
    %get3A_139 = tpu.vector_load %arg6[%get3A_137, %get3A_138] {strides = array<i32>} : memref<8x64xf32, #tpu.memory_space<vmem>>, vector<1x16xf32>,
    %get3A_140 = vector.shape_cast %get3A_139 : vector<1x16xf32> to vector<16xf32>
    %add3A_141 = arith.addf %add3A_135, %get3A_140 : vector<16xf32>
    %get3A_142 = arith.constant 5 : i32
    %get3A_143 = arith.index_cast %get3A_142 : i32 to index
    %get3A_144 = arith.constant 32 : index
    %get3A_145 = tpu.vector_load %arg6[%get3A_143, %get3A_144] {strides = array<i32>} : memref<8x64xf32, #tpu.memory_space<vmem>>, vector<1x16xf32>,
    %get3A_146 = vector.shape_cast %get3A_145 : vector<1x16xf32> to vector<16xf32>
    %add3A_147 = arith.addf %add3A_141, %get3A_146 : vector<16xf32>
    %get3A_148 = arith.constant 6 : i32
    %get3A_149 = arith.index_cast %get3A_148 : i32 to index
    %get3A_150 = arith.constant 32 : index
    %get3A_151 = tpu.vector_load %arg6[%get3A_149, %get3A_150] {strides = array<i32>} : memref<8x64xf32, #tpu.memory_space<vmem>>, vector<1x16xf32>,
    %get3A_152 = vector.shape_cast %get3A_151 : vector<1x16xf32> to vector<16xf32>
    %add3A_153 = arith.addf %add3A_147, %get3A_152 : vector<16xf32>
    %get3A_154 = arith.constant 7 : i32
    %get3A_155 = arith.index_cast %get3A_154 : i32 to index
    %get3A_156 = arith.constant 32 : index
    %get3A_157 = tpu.vector_load %arg6[%get3A_155, %get3A_156] {strides = array<i32>} : memref<8x64xf32, #tpu.memory_space<vmem>>, vector<1x16xf32>,
    %get3A_158 = vector.shape_cast %get3A_157 : vector<1x16xf32> to vector<16xf32>
    %add3A_159 = arith.addf %add3A_153, %get3A_158 : vector<16xf32>
    %mul3A_160 = vector.broadcast %convert_element_type3A_8 : f32 to vector<16xf32>
    %mul3A_161 = arith.mulf %add3A_159, %mul3A_160 : vector<16xf32>
    %swap3A_162 = arith.constant 32 : index
    %swap3A_163 = tpu.vector_load %arg7[%swap3A_162] {strides = array<i32>} : memref<64xf32, #tpu.memory_space<vmem>>, vector<16xf32>,
    %swap3A_164 = vector.shape_cast %swap3A_163 : vector<16xf32> to vector<16xf32>
    %swap3A_165 = vector.shape_cast %mul3A_161 : vector<16xf32> to vector<16xf32>
    tpu.vector_store %arg7[%swap3A_162], %swap3A_165 {strides = array<i32>} : memref<64xf32, #tpu.memory_space<vmem>>, vector<16xf32>,
    %get3A_166 = arith.constant 0 : i32
    %get3A_167 = arith.index_cast %get3A_166 : i32 to index
    %get3A_168 = arith.constant 48 : index
    %get3A_169 = tpu.vector_load %arg6[%get3A_167, %get3A_168] {strides = array<i32>} : memref<8x64xf32, #tpu.memory_space<vmem>>, vector<1x16xf32>,
    %get3A_170 = vector.shape_cast %get3A_169 : vector<1x16xf32> to vector<16xf32>
    %get3A_171 = arith.constant 1 : i32
    %get3A_172 = arith.index_cast %get3A_171 : i32 to index
    %get3A_173 = arith.constant 48 : index
    %get3A_174 = tpu.vector_load %arg6[%get3A_172, %get3A_173] {strides = array<i32>} : memref<8x64xf32, #tpu.memory_space<vmem>>, vector<1x16xf32>,
    %get3A_175 = vector.shape_cast %get3A_174 : vector<1x16xf32> to vector<16xf32>
    %add3A_176 = arith.addf %get3A_170, %get3A_175 : vector<16xf32>
    %get3A_177 = arith.constant 2 : i32
    %get3A_178 = arith.index_cast %get3A_177 : i32 to index
    %get3A_179 = arith.constant 48 : index
    %get3A_180 = tpu.vector_load %arg6[%get3A_178, %get3A_179] {strides = array<i32>} : memref<8x64xf32, #tpu.memory_space<vmem>>, vector<1x16xf32>,
    %get3A_181 = vector.shape_cast %get3A_180 : vector<1x16xf32> to vector<16xf32>
    %add3A_182 = arith.addf %add3A_176, %get3A_181 : vector<16xf32>
    %get3A_183 = arith.constant 3 : i32
    %get3A_184 = arith.index_cast %get3A_183 : i32 to index
    %get3A_185 = arith.constant 48 : index
    %get3A_186 = tpu.vector_load %arg6[%get3A_184, %get3A_185] {strides = array<i32>} : memref<8x64xf32, #tpu.memory_space<vmem>>, vector<1x16xf32>,
    %get3A_187 = vector.shape_cast %get3A_186 : vector<1x16xf32> to vector<16xf32>
    %add3A_188 = arith.addf %add3A_182, %get3A_187 : vector<16xf32>
    %get3A_189 = arith.constant 4 : i32
    %get3A_190 = arith.index_cast %get3A_189 : i32 to index
    %get3A_191 = arith.constant 48 : index
    %get3A_192 = tpu.vector_load %arg6[%get3A_190, %get3A_191] {strides = array<i32>} : memref<8x64xf32, #tpu.memory_space<vmem>>, vector<1x16xf32>,
    %get3A_193 = vector.shape_cast %get3A_192 : vector<1x16xf32> to vector<16xf32>
    %add3A_194 = arith.addf %add3A_188, %get3A_193 : vector<16xf32>
    %get3A_195 = arith.constant 5 : i32
    %get3A_196 = arith.index_cast %get3A_195 : i32 to index
    %get3A_197 = arith.constant 48 : index
    %get3A_198 = tpu.vector_load %arg6[%get3A_196, %get3A_197] {strides = array<i32>} : memref<8x64xf32, #tpu.memory_space<vmem>>, vector<1x16xf32>,
    %get3A_199 = vector.shape_cast %get3A_198 : vector<1x16xf32> to vector<16xf32>
    %add3A_200 = arith.addf %add3A_194, %get3A_199 : vector<16xf32>
    %get3A_201 = arith.constant 6 : i32
    %get3A_202 = arith.index_cast %get3A_201 : i32 to index
    %get3A_203 = arith.constant 48 : index
    %get3A_204 = tpu.vector_load %arg6[%get3A_202, %get3A_203] {strides = array<i32>} : memref<8x64xf32, #tpu.memory_space<vmem>>, vector<1x16xf32>,
    %get3A_205 = vector.shape_cast %get3A_204 : vector<1x16xf32> to vector<16xf32>
    %add3A_206 = arith.addf %add3A_200, %get3A_205 : vector<16xf32>
    %get3A_207 = arith.constant 7 : i32
    %get3A_208 = arith.index_cast %get3A_207 : i32 to index
    %get3A_209 = arith.constant 48 : index
    %get3A_210 = tpu.vector_load %arg6[%get3A_208, %get3A_209] {strides = array<i32>} : memref<8x64xf32, #tpu.memory_space<vmem>>, vector<1x16xf32>,
    %get3A_211 = vector.shape_cast %get3A_210 : vector<1x16xf32> to vector<16xf32>
    %add3A_212 = arith.addf %add3A_206, %get3A_211 : vector<16xf32>
    %mul3A_213 = vector.broadcast %convert_element_type3A_8 : f32 to vector<16xf32>
    %mul3A_214 = arith.mulf %add3A_212, %mul3A_213 : vector<16xf32>
    %swap3A_215 = arith.constant 48 : index
    %swap3A_216 = tpu.vector_load %arg7[%swap3A_215] {strides = array<i32>} : memref<64xf32, #tpu.memory_space<vmem>>, vector<16xf32>,
    %swap3A_217 = vector.shape_cast %swap3A_216 : vector<16xf32> to vector<16xf32>
    %swap3A_218 = vector.shape_cast %mul3A_214 : vector<16xf32> to vector<16xf32>
    tpu.vector_store %arg7[%swap3A_215], %swap3A_218 {strides = array<i32>} : memref<64xf32, #tpu.memory_space<vmem>>, vector<16xf32>,
    "tpu.region"() ({
      %run_scoped3A = tpu.sem_alloc : memref<!tpu.dma_semaphore, #tpu.memory_space<semaphore_mem>>
      %dma_start3A_219 = arith.constant 0 : i32
      %dma_start3A_220 = tpu.memref_slice %arg4[%add3A, %dma_start3A_219] : memref<32x64xf32, #tpu.memory_space<hbm>> -> memref<1x64xf32, #tpu.memory_space<hbm>>
      %dma_start3A_221 = tpu.memref_squeeze %dma_start3A_220 : memref<1x64xf32, #tpu.memory_space<hbm>> -> memref<64xf32, #tpu.memory_space<hbm>>
      %dma_start3A_222 = arith.constant 0 : i32
      %dma_start3A_223 = tpu.memref_slice %arg4[%add3A, %dma_start3A_222] : memref<32x64xf32, #tpu.memory_space<hbm>> -> memref<1x64xf32, #tpu.memory_space<hbm>>
      %dma_start3A_224 = tpu.memref_squeeze %dma_start3A_223 : memref<1x64xf32, #tpu.memory_space<hbm>> -> memref<64xf32, #tpu.memory_space<hbm>>
      tpu.enqueue_dma source(%arg7 : memref<64xf32, #tpu.memory_space<vmem>>) target(%dma_start3A_224 : memref<64xf32, #tpu.memory_space<hbm>>) target_semaphore(%run_scoped3A : memref<!tpu.dma_semaphore, #tpu.memory_space<semaphore_mem>>)
      %dma_wait3A_225 = arith.constant 0 : i32
      %dma_wait3A_226 = tpu.memref_slice %arg4[%add3A, %dma_wait3A_225] : memref<32x64xf32, #tpu.memory_space<hbm>> -> memref<1x64xf32, #tpu.memory_space<hbm>>
      %dma_wait3A_227 = tpu.memref_squeeze %dma_wait3A_226 : memref<1x64xf32, #tpu.memory_space<hbm>> -> memref<64xf32, #tpu.memory_space<hbm>>
      %dma_wait3A_228 = arith.constant 0 : i32
      %dma_wait3A_229 = tpu.memref_slice %arg4[%add3A, %dma_wait3A_228] : memref<32x64xf32, #tpu.memory_space<hbm>> -> memref<1x64xf32, #tpu.memory_space<hbm>>
      %dma_wait3A_230 = tpu.memref_squeeze %dma_wait3A_229 : memref<1x64xf32, #tpu.memory_space<hbm>> -> memref<64xf32, #tpu.memory_space<hbm>>
      tpu.wait_dma2 semaphore(%run_scoped3A : memref<!tpu.dma_semaphore, #tpu.memory_space<semaphore_mem>>) src(%arg7 : memref<64xf32, #tpu.memory_space<vmem>>) dst(%dma_wait3A_230 : memref<64xf32, #tpu.memory_space<hbm>>)
      tpu.yield
    }) : () -> ()
    return
  }
}

module attributes {stable_mosaic.version = 14 : i64} {
  func.func @body(%arg0: i32, %arg1: memref<32x64xf32, #tpu.memory_space<vmem>>, %arg2: memref<128x64xf32, #tpu.memory_space<vmem>>, %arg3: memref<1x128xf32, #tpu.memory_space<vmem>>, %arg4: memref<4000x128xf32, #tpu.memory_space<vmem>>, %arg5: memref<1x1x4000xf32, #tpu.memory_space<vmem>>, %arg6: memref<25x4000xf32, #tpu.memory_space<vmem>>, %arg7: memref<1x128xf32, #tpu.memory_space<vmem>>, %arg8: memref<2xf32, #tpu.memory_space<smem>>) attributes {dimension_semantics = [#tpu.dimension_semantics<arbitrary>], iteration_bounds = array<i64: 26>, scalar_prefetch = 0 : i64, scratch_operands = 2 : i64, tpu.core_type = #tpu.core_type<tc>, window_params = [{pipeline_mode = #tpu.pipeline_mode<synchronous>, transform_indices = @transform_0, window_bounds = array<i64: 32, 64>}, {pipeline_mode = #tpu.pipeline_mode<synchronous>, transform_indices = @transform_1, window_bounds = array<i64: 128, 64>}, {pipeline_mode = #tpu.pipeline_mode<synchronous>, transform_indices = @transform_2, window_bounds = array<i64: 1, 128>}, {transform_indices = @transform_3, window_bounds = array<i64: 4000, 128>}, {transform_indices = @transform_4, window_bounds = array<i64: 1, 1, 4000>}, {pipeline_mode = #tpu.pipeline_mode<synchronous>, transform_indices = @transform_5, window_bounds = array<i64: 25, 4000>}]} {
    %eq3A = arith.constant 0 : i32
    %eq3A_0 = arith.cmpi eq, %arg0, %eq3A : i32
    %convert_element_type3A = arith.extui %eq3A_0 : i1 to i32
    %cond3A = arith.constant 0 : i32
    %cond3A_1 = arith.cmpi ne, %convert_element_type3A, %cond3A : i32
    scf.if %cond3A_1 {
      %get3A = arith.constant 0 : index
      %get3A_11 = arith.constant 0 : index
      %get3A_12 = vector.load %arg1[%get3A, %get3A_11] : memref<32x64xf32, #tpu.memory_space<vmem>>, vector<32x64xf32>
      %reduce_sum3A = arith.constant dense<0.000000e+00> : vector<64xf32>
      %reduce_sum3A_13 = vector.multi_reduction <add>, %get3A_12, %reduce_sum3A [0] : vector<32x64xf32> to vector<64xf32>
      %broadcast_in_dim3A = vector.shape_cast %reduce_sum3A_13 : vector<64xf32> to vector<1x64xf32>
      %get3A_14 = arith.constant 0 : index
      %get3A_15 = arith.constant 0 : index
      %get3A_16 = vector.load %arg2[%get3A_14, %get3A_15] : memref<128x64xf32, #tpu.memory_space<vmem>>, vector<128x64xf32>
      %dot_general3A = arith.constant dense<0.000000e+00> : vector<1x128xf32>
      %dot_general3A_17 = tpu.matmul %broadcast_in_dim3A, %get3A_16, %dot_general3A {dimension_numbers = #tpu.dot_dimension_numbers<[1], [1], [0], [0], [0, 0, 1, 0], [], []>, transpose_lhs_hint = false} : vector<1x64xf32>, vector<128x64xf32>, vector<1x128xf32> -> vector<1x128xf32>
      %get3A_18 = arith.constant 0 : index
      %get3A_19 = arith.constant 0 : index
      %get3A_20 = vector.load %arg3[%get3A_18, %get3A_19] : memref<1x128xf32, #tpu.memory_space<vmem>>, vector<1x128xf32>
      %add3A = arith.addf %dot_general3A_17, %get3A_20 : vector<1x128xf32>
      %max3A = arith.constant 0.000000e+00 : f32
      %max3A_21 = vector.broadcast %max3A : f32 to vector<1x128xf32>
      %max3A_22 = arith.maximumf %add3A, %max3A_21 : vector<1x128xf32>
      %swap3A = arith.constant 0 : index
      %swap3A_23 = arith.constant 0 : index
      %swap3A_24 = vector.load %arg7[%swap3A, %swap3A_23] : memref<1x128xf32, #tpu.memory_space<vmem>>, vector<1x128xf32>
      tpu.vector_store %arg7[%swap3A, %swap3A_23], %max3A_22 {strides = array<i32>} : memref<1x128xf32, #tpu.memory_space<vmem>>, vector<1x128xf32>,
      %swap3A_25 = arith.constant 0xFF800000 : f32
      %swap3A_26 = arith.constant 0 : index
      %swap3A_27 = memref.load %arg8[%swap3A_26] : memref<2xf32, #tpu.memory_space<smem>>
      memref.store %swap3A_25, %arg8[%swap3A_26] : memref<2xf32, #tpu.memory_space<smem>>
      %swap3A_28 = arith.constant 0.000000e+00 : f32
      %swap3A_29 = arith.constant 1 : index
      %swap3A_30 = memref.load %arg8[%swap3A_29] : memref<2xf32, #tpu.memory_space<smem>>
      memref.store %swap3A_28, %arg8[%swap3A_29] : memref<2xf32, #tpu.memory_space<smem>>
    } else {
    }
    %lt3A = arith.constant 25 : i32
    %lt3A_2 = arith.cmpi slt, %arg0, %lt3A : i32
    %convert_element_type3A_3 = arith.extui %lt3A_2 : i1 to i32
    %cond3A_4 = arith.constant 0 : i32
    %cond3A_5 = arith.cmpi ne, %convert_element_type3A_3, %cond3A_4 : i32
    scf.if %cond3A_5 {
      %get3A = arith.constant 0 : index
      %get3A_11 = arith.constant 0 : index
      %get3A_12 = vector.load %arg7[%get3A, %get3A_11] : memref<1x128xf32, #tpu.memory_space<vmem>>, vector<1x128xf32>
      %get3A_13 = arith.constant 0 : index
      %get3A_14 = arith.constant 0 : index
      %get3A_15 = vector.load %arg4[%get3A_13, %get3A_14] : memref<4000x128xf32, #tpu.memory_space<vmem>>, vector<4000x128xf32>
      %dot_general3A = arith.constant dense<0.000000e+00> : vector<1x4000xf32>
      %dot_general3A_16 = tpu.matmul %get3A_12, %get3A_15, %dot_general3A {dimension_numbers = #tpu.dot_dimension_numbers<[1], [1], [0], [0], [0, 0, 1, 0], [], []>, transpose_lhs_hint = false} : vector<1x128xf32>, vector<4000x128xf32>, vector<1x4000xf32> -> vector<1x4000xf32>
      %get3A_17 = arith.constant 0 : index
      %get3A_18 = arith.constant 0 : index
      %get3A_19 = arith.constant 0 : index
      %get3A_20 = vector.load %arg5[%get3A_17, %get3A_18, %get3A_19] : memref<1x1x4000xf32, #tpu.memory_space<vmem>>, vector<1x1x4000xf32>
      %get3A_21 = vector.shape_cast %get3A_20 : vector<1x1x4000xf32> to vector<1x4000xf32>
      %add3A = arith.addf %dot_general3A_16, %get3A_21 : vector<1x4000xf32>
      %get3A_22 = arith.constant 0 : index
      %get3A_23 = memref.load %arg8[%get3A_22] : memref<2xf32, #tpu.memory_space<smem>>
      %get3A_24 = arith.constant 1 : index
      %get3A_25 = memref.load %arg8[%get3A_24] : memref<2xf32, #tpu.memory_space<smem>>
      %reduce_max3A = vector.shape_cast %add3A : vector<1x4000xf32> to vector<1x1x4000xf32>
      %reduce_max3A_26 = arith.constant dense<0xFF800000> : vector<1xf32>
      %reduce_max3A_27 = vector.multi_reduction <maximumf>, %reduce_max3A, %reduce_max3A_26 [1, 2] : vector<1x1x4000xf32> to vector<1xf32>
      %reduce_max3A_28 = vector.shape_cast %reduce_max3A_27 : vector<1xf32> to vector<1x1x1xf32>
      %reduce_max3A_29 = vector.extract %reduce_max3A_28[0, 0, 0] : f32 from vector<1x1x1xf32>
      %max3A = arith.maximumf %get3A_23, %reduce_max3A_29 : f32
      %swap3A = arith.constant 0 : index
      %swap3A_30 = memref.load %arg8[%swap3A] : memref<2xf32, #tpu.memory_space<smem>>
      memref.store %max3A, %arg8[%swap3A] : memref<2xf32, #tpu.memory_space<smem>>
      %sub3A = arith.subf %get3A_23, %max3A : f32
      %exp3A = math.exp %sub3A : f32
      %mul3A = arith.mulf %get3A_25, %exp3A : f32
      %sub3A_31 = vector.broadcast %max3A : f32 to vector<1x4000xf32>
      %sub3A_32 = arith.subf %add3A, %sub3A_31 : vector<1x4000xf32>
      %exp3A_33 = math.exp %sub3A_32 : vector<1x4000xf32>
      %reduce_sum3A = vector.shape_cast %exp3A_33 : vector<1x4000xf32> to vector<1x1x4000xf32>
      %reduce_sum3A_34 = arith.constant dense<0.000000e+00> : vector<1xf32>
      %reduce_sum3A_35 = vector.multi_reduction <add>, %reduce_sum3A, %reduce_sum3A_34 [1, 2] : vector<1x1x4000xf32> to vector<1xf32>
      %reduce_sum3A_36 = vector.shape_cast %reduce_sum3A_35 : vector<1xf32> to vector<1x1x1xf32>
      %reduce_sum3A_37 = vector.extract %reduce_sum3A_36[0, 0, 0] : f32 from vector<1x1x1xf32>
      %add3A_38 = arith.addf %mul3A, %reduce_sum3A_37 : f32
      %swap3A_39 = arith.constant 1 : index
      %swap3A_40 = memref.load %arg8[%swap3A_39] : memref<2xf32, #tpu.memory_space<smem>>
      memref.store %add3A_38, %arg8[%swap3A_39] : memref<2xf32, #tpu.memory_space<smem>>
      %swap3A_41 = arith.index_cast %arg0 : i32 to index
      %swap3A_42 = arith.constant 0 : index
      %swap3A_43 = vector.load %arg6[%swap3A_41, %swap3A_42] : memref<25x4000xf32, #tpu.memory_space<vmem>>, vector<1x4000xf32>
      tpu.vector_store %arg6[%swap3A_41, %swap3A_42], %add3A {strides = array<i32>} : memref<25x4000xf32, #tpu.memory_space<vmem>>, vector<1x4000xf32>,
    } else {
    }
    %eq3A_6 = arith.constant 25 : i32
    %eq3A_7 = arith.cmpi eq, %arg0, %eq3A_6 : i32
    %convert_element_type3A_8 = arith.extui %eq3A_7 : i1 to i32
    %cond3A_9 = arith.constant 0 : i32
    %cond3A_10 = arith.cmpi ne, %convert_element_type3A_8, %cond3A_9 : i32
    scf.if %cond3A_10 {
      %get3A = arith.constant 0 : index
      %get3A_11 = memref.load %arg8[%get3A] : memref<2xf32, #tpu.memory_space<smem>>
      %get3A_12 = arith.constant 1 : index
      %get3A_13 = memref.load %arg8[%get3A_12] : memref<2xf32, #tpu.memory_space<smem>>
      %log3A = math.log %get3A_13 : f32
      %add3A = arith.addf %get3A_11, %log3A : f32
      %get3A_14 = arith.constant 0 : index
      %get3A_15 = arith.constant 0 : index
      %get3A_16 = vector.load %arg6[%get3A_14, %get3A_15] : memref<25x4000xf32, #tpu.memory_space<vmem>>, vector<25x4000xf32>
      %sub3A = vector.broadcast %add3A : f32 to vector<25x4000xf32>
      %sub3A_17 = arith.subf %get3A_16, %sub3A : vector<25x4000xf32>
      %swap3A = arith.constant 0 : index
      %swap3A_18 = arith.constant 0 : index
      %swap3A_19 = vector.load %arg6[%swap3A, %swap3A_18] : memref<25x4000xf32, #tpu.memory_space<vmem>>, vector<25x4000xf32>
      tpu.vector_store %arg6[%swap3A, %swap3A_18], %sub3A_17 {strides = array<i32>} : memref<25x4000xf32, #tpu.memory_space<vmem>>, vector<25x4000xf32>,
    } else {
    }
    return
  }
  func.func @transform_0(%arg0: i32) -> (i32, i32) {
    %c0_i32 = arith.constant 0 : i32
    %c0_i32_0 = arith.constant 0 : i32
    %c0_i32_1 = arith.constant 0 : i32
    return %c0_i32, %c0_i32_0 : i32, i32
  }
  func.func @transform_1(%arg0: i32) -> (i32, i32) {
    %c0_i32 = arith.constant 0 : i32
    %c0_i32_0 = arith.constant 0 : i32
    %c0_i32_1 = arith.constant 0 : i32
    return %c0_i32, %c0_i32_0 : i32, i32
  }
  func.func @transform_2(%arg0: i32) -> (i32, i32) {
    %c0_i32 = arith.constant 0 : i32
    %c0_i32_0 = arith.constant 0 : i32
    %c0_i32_1 = arith.constant 0 : i32
    return %c0_i32, %c0_i32_0 : i32, i32
  }
  func.func @transform_3(%arg0: i32) -> (i32, i32) {
    %min3A = arith.constant 24 : i32
    %min3A_0 = arith.minsi %arg0, %min3A : i32
    %c0_i32 = arith.constant 0 : i32
    %c0_i32_1 = arith.constant 0 : i32
    return %min3A_0, %c0_i32 : i32, i32
  }
  func.func @transform_4(%arg0: i32) -> (i32, i32, i32) {
    %min3A = arith.constant 24 : i32
    %min3A_0 = arith.minsi %arg0, %min3A : i32
    %c0_i32 = arith.constant 0 : i32
    %c0_i32_1 = arith.constant 0 : i32
    %c0_i32_2 = arith.constant 0 : i32
    return %min3A_0, %c0_i32, %c0_i32_1 : i32, i32, i32
  }
  func.func @transform_5(%arg0: i32) -> (i32, i32) {
    %c0_i32 = arith.constant 0 : i32
    %c0_i32_0 = arith.constant 0 : i32
    %c0_i32_1 = arith.constant 0 : i32
    return %c0_i32, %c0_i32_0 : i32, i32
  }
}

</mosaic_0001>

<sc_bundles>
// kernel: kernel.4.cloned.1.call-start
scs
__scs_entry_jumppad:
0x0: {  	(pc) =	sbr.rel $0x88, $3  }
0x1: {  	(tag) =	ssettag $0x0;
	lr =	simm.s32 $0x1  }
0x2: {  	[smem:$0x3F9B] =	sst lr;
	_ =	strace $0xD0000000  }
0x3: {  	_ = 	snop  }
0x4: {  	_ = 	snop  }
0x5: {  	_ = 	snop  }
0x6: {  	_ = 	snop  }
0x7: {  	_ = 	snop  }
__scs_overlays_trampoline_lowered:
0x8: {  	[smem:$0x3FAA] =	sst s0  }
0x9: {  	[smem:$0x3FAB] =	sst s1  }
0xa: {  	[smem:$0x3FAC] =	sst s2  }
0xb: {  	[smem:$0x3FAD] =	sst s3  }
0xc: {  	[smem:$0x3FAE] =	sst s4  }
0xd: {  	[smem:$0x3FAF] =	sst s5  }
0xe: {  	[smem:$0x3FB0] =	sst s6  }
0xf: {  	[smem:$0x3FB1] =	sst s7  }
0x10: {  	[smem:$0x3FB2] =	sst s8  }
0x11: {  	[smem:$0x3FB3] =	sst s9;
	s0 =	simm.s32 @!p0 $0x0  }
0x12: {  	s1 =	sld [smem:$0x3F99];
	s0 =	simm.s32 @p0 $0x1  }
0x13: {  	[smem:$0x3FB4] =	sst s0;
	s0 =	simm.s32 @!p1 $0x0  }
0x14: {  	s2 =	sld [smem:$0x3F98];
	s0 =	simm.s32 @p1 $0x1  }
0x15: {  	[smem:$0x3FB5] =	sst s0;
	s0 =	simm.s32 @!p2 $0x0  }
0x16: {  	s3 =	sld [smem:$0x3FDB];
	s0 =	simm.s32 @p2 $0x1  }
0x17: {  	s4 =	simm.s32 $0x1BF5;
	[smem:$0x3FB7] =	sst s0  }
0x18: {  	s0 =	sld [smem:$0x3F9A];
	_ =	swait.ge [sflag:s4], $0x0  }
0x19: {  	s7 =	sld [smem:$0x3F9B]  }
0x1a: {  	s8 =	sadd.s32 $0xFFFFE003, lr  }
0x1b: {  	s9 =	sadd.s32 $0xFFFFFEF7, lr;
	s5 =	simm.s32 $0xFFFFFFFF;
	p2 =	slt.u32 s8, $0xFFFFF086  }
0x1c: {  	p1 =	slt.u32 s9, $0xF7A;
	s5 =	simm.s32 @!p2 $0x0  }
0x1d: {  	s5 =	simm.s32 @p1 $0x1;
	p0 =	seq.s32 s7, s2  }
0x1e: {  	s7 =	smul.u32 @!p0 $0xF7A, s2;
	p2 =	seq.s32 @!p0 s5, $0x0  }
0x1f: {  	s9 =	smul.u32 $0xF7A, s1;
	s8 =	simm.s32 @!p0 $0x1BF5;
	p2 =	por !p2, p0  }
0x20: {  	[sflag:s8] =	ssyncset.s32 @!p0 $0xFFFFF086;
	s6 =	sadd.s32 @!p0 s3, s7;
	s7 =	simm.s32 @!p0 $0x108  }
0x21: {  	s3 =	sadd.s32 s3, s9;
	s6 =	sadd.s32 @!p0 $0x88, s6;
	s7 =	simm.s32 @p2 $0x1082  }
0x22: {  	[simem:s7], [sflag:s8] =	dma.local @!p0 [hbm:s6], $0xF7A  }
0x23: {  	s9 =	sor.u32 $0xD0000000, s2;
	s6 =	simm.s32 $0x108;
	_ =	swait.ge @!p0 [sflag:s8], $0x0  }
0x24: {  	s3 =	sadd.s32 $0x88, s3;
	s6 =	simm.s32 @!p1 $0x1082;
	[sflag:s4] =	ssyncset.s32 $0xFFFFF086  }
0x25: {  	[simem:s6], [sflag:s4] =	dma.local [hbm:s3], $0xF7A  }
0x26: {  	[smem:$0x3F9B] =	sst s1;
	(tag) =	ssettag s2;
	_ =	strace s9  }
0x27: {  	s1 =	sld [smem:$0x3FAB]  }
0x28: {  	s2 =	sld [smem:$0x3FAC]  }
0x29: {  	s4 =	sld [smem:$0x3FAE]  }
0x2a: {  	p0 =	seq.s32 s5, $0x0;
	s5 =	sld [smem:$0x3FAF]  }
0x2b: {  	s6 =	sld [smem:$0x3FB0]  }
0x2c: {  	s7 =	sld [smem:$0x3FB1]  }
0x2d: {  	s3 =	simm.s32 $0x108;
	s8 =	sld [smem:$0x3FB2]  }
0x2e: {  	s3 =	simm.s32 @!p0 $0x1082;
	s9 =	sld [smem:$0x3FB3]  }
0x2f: {  	lr =	sadd.s32 s0, s3;
	s0 =	sld [smem:$0x3FAA]  }
0x30: {  	s3 =	sld [smem:$0x3FAD]  }
0x31: {  	[smem:$0x3FB6] =	sst s10  }
0x32: {  	s10 =	sld [smem:$0x3FB4];
	_ =	sdelay $0x3  }
0x33: {  	p0 =	seq.s32 s10, $0x1;
	s10 =	sld [smem:$0x3FB6];
	_ =	sdelay $0x3  }
0x34: {  	[smem:$0x3FB6] =	sst s10  }
0x35: {  	s10 =	sld [smem:$0x3FB5];
	_ =	sdelay $0x3  }
0x36: {  	p1 =	seq.s32 s10, $0x1;
	s10 =	sld [smem:$0x3FB6];
	_ =	sdelay $0x3  }
0x37: {  	[smem:$0x3FB6] =	sst s10  }
0x38: {  	s10 =	sld [smem:$0x3FB7]  }
0x39: {  	_ = 	snop;
	(pc) =	sbr.ind lr, $3  }
0x3a: {  	_ = 	snop  }
0x3b: {  	_ = 	snop  }
0x3c: {  	p2 =	seq.s32 s10, $0x1;
	s10 =	sld [smem:$0x3FB6]  }
0x3d: {  	_ =	shalt  }
0x3e: {  	_ =	shalt  }
0x3f: {  	_ =	shalt  }
0x40: {  	_ =	shalt  }
0x41: {  	_ =	shalt  }
0x42: {  	_ =	shalt  }
0x43: {  	_ =	shalt  }
0x44: {  	_ =	shalt  }
0x45: {  	_ =	shalt  }
0x46: {  	_ =	shalt  }
0x47: {  	_ =	shalt  }
0x48: {  	_ =	shalt  }
0x49: {  	_ =	shalt  }
0x4a: {  	_ =	shalt  }
0x4b: {  	_ =	shalt  }
0x4c: {  	_ =	shalt  }
0x4d: {  	_ =	shalt  }
0x4e: {  	_ =	shalt  }
0x4f: {  	_ =	shalt  }
0x50: {  	_ =	shalt  }
0x51: {  	_ =	shalt  }
0x52: {  	_ =	shalt  }
0x53: {  	_ =	shalt  }
0x54: {  	_ =	shalt  }
0x55: {  	_ =	shalt  }
0x56: {  	_ =	shalt  }
0x57: {  	_ =	shalt  }
0x58: {  	_ =	shalt  }
0x59: {  	_ =	shalt  }
0x5a: {  	_ =	shalt  }
0x5b: {  	_ =	shalt  }
0x5c: {  	_ =	shalt  }
0x5d: {  	_ =	shalt  }
0x5e: {  	_ =	shalt  }
0x5f: {  	_ =	shalt  }
0x60: {  	_ =	shalt  }
0x61: {  	_ =	shalt  }
0x62: {  	_ =	shalt  }
0x63: {  	_ =	shalt  }
0x64: {  	_ =	shalt  }
0x65: {  	_ =	shalt  }
0x66: {  	_ =	shalt  }
0x67: {  	_ =	shalt  }
0x68: {  	_ =	shalt  }
0x69: {  	_ =	shalt  }
0x6a: {  	_ =	shalt  }
0x6b: {  	_ =	shalt  }
0x6c: {  	_ =	shalt  }
0x6d: {  	_ =	shalt  }
0x6e: {  	_ =	shalt  }
0x6f: {  	_ =	shalt  }
0x70: {  	_ =	shalt  }
0x71: {  	_ =	shalt  }
0x72: {  	_ =	shalt  }
0x73: {  	_ =	shalt  }
0x74: {  	_ =	shalt  }
0x75: {  	_ =	shalt  }
0x76: {  	_ =	shalt  }
0x77: {  	_ =	shalt  }
0x78: {  	_ =	shalt  }
0x79: {  	_ =	shalt  }
0x7a: {  	_ =	shalt  }
0x7b: {  	_ =	shalt  }
0x7c: {  	_ =	shalt  }
0x7d: {  	_ =	shalt  }
0x7e: {  	_ =	shalt  }
0x7f: {  	_ =	shalt  }
0x80: {  	_ =	shalt  }
0x81: {  	_ =	shalt  }
0x82: {  	_ =	shalt  }
0x83: {  	_ =	shalt  }
0x84: {  	_ =	shalt  }
0x85: {  	_ =	shalt  }
0x86: {  	_ =	shalt  }
0x87: {  	_ =	shalt  }
.Lfunc_end0:
.L_simem_size_0:
called_computation_lowered:
.L_overlay_start_0:
0x88: {  	s2 =	sld [smem:$0x3FD9]  }
0x89: {  	s3 =	sld [smem:$0x3FFE];
	_ =	sdelay $0x1  }
0x8a: {  	s1 =	srdreg.scid  }
0x8b: {  	s0 =	sand.u32 $0x1, s1  }
0x8c: {  	s17 =	sshll.u32 s0, $0xA;
	s2 =	sadd.s32 s3, s2  }
0x8d: {  	s2 =	sadd.s32 s2, s17  }
0x8e: {  	[smem:$0x3FC2] =	sst s2  }
0x8f: {  	_ = 	snop  }
0x90: {  	s2 =	sld [smem:$0x3FD0];
	(tm) =	ssettm $0x1  }
0x91: {  	s18 =	sld [smem:$0x3FFB];
	_ =	sdelay $0x3  }
0x92: {  	_ =	strace s18  }
0x93: {  	s3 =	sld [smem:$0x3FFC];
	_ =	sdelay $0x3  }
0x94: {  	_ =	strace s3  }
0x95: {  	s3 =	sld [smem:$0x3FFD];
	_ =	sdelay $0x3  }
0x96: {  	_ =	strace s3  }
0x97: {  	_ =	strace $0x8FFFFFFF  }
0x98: {  	s19 =	sld [smem:$0x3FDB];
	_ =	sdelay $0x1  }
0x99: {  	s4 =	simm.s32 $_scs_section_size  }
0x9a: {  	s5 =	simm.s32 $_size__tile_overlayer_lowered;
	s6 =	simm.s32 $_tile_overlayer_lowered  }
0x9b: {  	s22 =	simm.s32 $0x1BFF;
	s21 =	sshll.u32 s6, $0x1;
	s3 =	sadd.s32 s4, s19  }
0x9c: {  	s7 =	simm.s32 $0x0;
	s20 =	sshll.u32 s5, $0x1;
	s5 =	sadd.s32 s21, s3  }
0x9d: {  	[timem:s7], [sflag:s22] =	dma.local [hbm:s5], s20  }
0x9e: {  	_ =	swait.ge [sflag:s22], s20  }
0x9f: {  	s4 =	ssub.s32 $0x0, s20;
	[sflag:s22] =	ssyncset.done $0x0  }
0xa0: {  	[sflag:s22] =	ssyncadd.s32 s4;
	_ =	sdelay $0x1  }
0xa1: {  	s23 =	simm.s32 $0x1B8B  }
0xa2: {  	_ =	swait.ge [sflag:s23], $0x1  }
0xa3: {  	[sflag:s23] =	ssyncset.done $0x0  }
0xa4: {  	s25 =	simm.s32 $0x1B8E;
	s24 =	sld [smem:$0x3FFE];
	[sflag:s23] =	ssyncadd.s32 $0xFFFFFFFF  }
0xa5: {  	s26 =	simm.s32 $execute0_lowered;
	[smem:$0x3FD2] =	sst s25  }
0xa6: {  	s5 =	sshll.u32 s26, $0x1;
	_ =	strace $0x80000046;
	[dreg:$0x1] =	wrdreg $0xFFFFFFFF  }
0xa7: {  	s28 =	simm.s32 $_size_execute0_lowered;
	s3 =	sadd.s32 s3, s5;
	[dreg:$0x0] =	wrdreg $0x0  }
0xa8: {  	s5 =	sshll.u32 s28, $0x1;
	[dreg:$0x2] =	wrdreg s3  }
0xa9: {  	[dreg:$0x3] =	wrdreg s5  }
0xaa: {  	[dreg:$0x4] =	wrdreg $0xC0  }
0xab: {  	_ =	task [dreg:s7], $0x5FFFF  }
0xac: {  	[dreg:$0x1] =	wrdreg $0xFFFFFFFF  }
0xad: {  	[dreg:$0x0] =	wrdreg $0x60  }
0xae: {  	[dreg:$0x2] =	wrdreg s24  }
0xaf: {  	[dreg:$0x3] =	wrdreg s2  }
0xb0: {  	[dreg:$0x4] =	wrdreg $0x9  }
0xb1: {  	_ =	task.clear_ibuf [dreg:s7], $0x5FFFF;
	_ =	strace $0x90000046  }
0xb2: {  	s29 =	simm.s32 $0x9;
	_ =	strace $0x80000048  }
0xb3: {  	_ =	swait.ge [sflag:s29], $0x1  }
0xb4: {  	[sflag:s29] =	ssyncadd.s32 $0xFFFFFFFF  }
0xb5: {  	_ =	strace $0x90000048  }
0xb6: {  	_ =	sfence  }
0xb7: {  	s30 =	sld [smem:$0x0];
	_ =	sdelay $0x2  }
0xb8: {  	s31 =	sshll.u32 s1, $0xD;
	s1 =	sshrl.u32 s1, $0x2  }
0xb9: {  	s3 =	sand.u32 $0x4000, s31;
	s1 =	sadd.s32 s1, s30  }
0xba: {  	s0 =	sor.u32 s3, s0;
	s1 =	sshll.u32 s1, $0x11  }
0xbb: {  	s0 =	sor.u32 s1, s0  }
0xbc: {  	s0 =	sadd.s32 $0x8F2B, s0  }
0xbd: {  	[sflag:s0] =	ssyncadd.remote.s32 $0x1  }
0xbe: {  	_ =	sfence.sel $0xFFFF  }
0xbf: {  	[dreg:$0x0] =	wrdreg $0xFFFFFFFF;
	(pc) =	sbr.abs _section_cstart, $3  }
0xc0: {  	[dreg:$0x1] =	wrdreg $0xFFFFFFFF  }
0xc1: {  	_ =	task.clear_ibuf [dreg:s7], $0x2FFFF;
	_ =	strace $0x9FFFFFFF  }
0xc2: {  	(tm) =	ssettm $0x7FFFFFFF  }
0xc3: {  	_ =	shalt  }
tec
execute0_lowered:
.L_overlay_start_1:
0x0: {  	(tag) =	ssettag $0x1  }
0x1: {  	s5 =	rddreg [dreg:$0x0]  }
0x2: {  	s1 =	srdreg.scid;
	s0 =	stileid.u32  }
0x3: {  	s8 =	rddreg [dreg:$0x1];
	s9 =	sand.u32 $0x1, s1;
	s3 =	sshll.u32 s0, $0x1  }
0x4: {  	s2 =	simm.s32 $0x0;
	s1 =	rddreg [dreg:$0x2];
	s10 =	sor.u32 s9, s3  }
0x5: {  	[smem:$0x7FF] =	sst s2;
	s3 =	sadd.s32 s10, s5  }
0x6: {  	_ =	strace $0x80000047;
	s4 =	sadd.s32 $0xC00, s3;
	s3 =	simm.s32 $0x2  }
0x7: {  	[tilespmem:s2], [sflag:$0x2] =	stream.linear.gather [hbm4b:s4+s2], $0x8, $0x38;
	[tilespmem:$0x248] =	vst v63  }
0x8: {  	_ =	swait.ge [sflag:s3], $0x8  }
0x9: {  	s6 =	simm.s32 $0x8;
	[sflag:s3] =	ssyncset.done $0x0  }
0xa: {  	s7 =	simm.s32 $0x1;
	s5 =	sadd.s32 $0x187600, s5;
	[sflag:s3] =	ssyncadd.s32 $0xFFFFFFF8  }
0xb: {  	[tilespmem:s6], [sflag:$0x1] =	stream.indirect.gather [hbm4b:s5+s6], $0x40, s2, s6, $0xb8;
	[tilespmem:$0x248] =	vst v63  }
0xc: {  	_ =	swait.ge [sflag:s7], $0x200  }
0xd: {  	[sflag:s7] =	ssyncset.done $0x0  }
0xe: {  	[sflag:s7] =	ssyncadd.s32 $0xFFFFFE00  }
0xf: {  	v3 =	vld [tilespmem:$0x138]  }
0x10: {  	v1 =	vld [tilespmem:$0x1B8]  }
0x11: {  	v2 =	vld [tilespmem:$0xD8]  }
0x12: {  	v15 =	vld [tilespmem:$0xF8]  }
0x13: {  	v8 =	vld [tilespmem:$0x88]  }
0x14: {  	v0 =	vld [tilespmem:$0x98]  }
0x15: {  	v11 =	vld [tilespmem:$0xB8]  }
0x16: {  	v12 =	vld [tilespmem:$0xE8]  }
0x17: {  	v6 =	vld [tilespmem:$0xA8]  }
0x18: {  	v9 =	vld [tilespmem:$0x78]  }
0x19: {  	v4 =	vld [tilespmem:$0x68]  }
0x1a: {  	v10 =	vld [tilespmem:$0x58]  }
0x1b: {  	v13 =	vld [tilespmem:$0x8]  }
0x1c: {  	v14 =	vld [tilespmem:$0x28]  }
0x1d: {  	v16 =	vld [tilespmem:$0x38]  }
0x1e: {  	s9 =	ssub.s32 $0x2, s9;
	v17 =	vld [tilespmem:$0x18]  }
0x1f: {  	s11 =	sshrl.u32 s9, $0x1;
	v18 =	vld [tilespmem:$0x48]  }
0x20: {  	s9 =	ssub.s32 s9, s11;
	v7 =	vld [tilespmem:$0xC8]  }
0x21: {  	p0 =	slt.u32 s10, $0x19;
	s11 =	simm.f32 $1.000000000e+00;
	s12 =	smax.u32 s9, $0x1;
	v5 =	vld [tilespmem:$0x118]  }
0x22: {  	s11 =	simm.s32 @!p0 $0x0;
	p0 =	sne.s32 s12, $0x1;
	v14 =	vadd.f32 v4, v14;
	v4 =	vld [tilespmem:$0x168]  }
.Ltmp0:
0x23: {  	v16 =	vadd.f32 v9, v16;
	v9 =	vld [tilespmem:$0x178];
	(pc) =	sbr.rel @!p0 .LBB2_2-.Ltmp0, $4  }
0x24: {  	v17 =	vadd.f32 v10, v17;
	v10 =	vld [tilespmem:$0x108];
	v14 =	vadd.f32 v6, v14  }
0x25: {  	v18 =	vadd.f32 v18, v13;
	v6 =	vld [tilespmem:$0x158];
	v16 =	vadd.f32 v11, v16  }
0x26: {  	s31 =	sshll.u32 s10, $0x3;
	v11 =	vld [tilespmem:$0x148];
	v13 =	vadd.f32 v0, v17;
	v12 =	vadd.f32 v12, v14  }
0x27: {  	s8 =	sadd.s32 s8, s31;
	s9 =	simm.s32 $0x208;
	s10 =	sadd.s32 $0xFFFFFFFF, s12;
	v0 =	vmov s11;
	v14 =	vadd.f32 v8, v18;
	v8 =	vld [tilespmem:$0x198];
	v15 =	vadd.f32 v15, v16  }
.LBB2_1:
0x28: {  	p0 =	sne.s32 s10, $0x1;
	s10 =	sadd.s32 $0xFFFFFFFF, s10;
	v16 =	vld [tilespmem:$0x128]  }
0x29: {  	v7 =	vadd.f32 v7, v14;
	v14 =	vld [tilespmem:$0x1A8];
	v3 =	vadd.f32 v3, v15  }
0x2a: {  	v15 =	vld [tilespmem:$0x188]  }
0x2b: {  	v7 =	vadd.f32 v10, v7;
	v3 =	vadd.f32 v9, v3;
	v9 =	vld [tilespmem:$0x1F8]  }
0x2c: {  	v2 =	vadd.f32 v2, v13;
	v10 =	vld [tilespmem:$0x1C8]  }
0x2d: {  	v7 =	vadd.f32 v11, v7;
	v11 =	vadd.f32 v16, v12  }
0x2e: {  	v2 =	vadd.f32 v5, v2;
	v1 =	vadd.f32 v1, v3;
	v5 =	vld [tilespmem:$0x1E8]  }
0x2f: {  	v3 =	vadd.f32 v15, v7;
	v7 =	vld [tilespmem:$0x1D8];
	v4 =	vadd.f32 v4, v11  }
0x30: {  	v2 =	vadd.f32 v6, v2;
	v1 =	vadd.f32 v9, v1  }
0x31: {  	v3 =	vadd.f32 v10, v3;
	v4 =	vadd.f32 v14, v4  }
0x32: {  	v2 =	vadd.f32 v8, v2;
	v1 =	vmul.f32 v1, v0  }
0x33: {  	v3 =	vmul.f32 v3, v0;
	v4 =	vadd.f32 v5, v4  }
0x34: {  	v2 =	vadd.f32 v7, v2;
	[tilespmem:$0x238] =	vst v1  }
0x35: {  	[tilespmem:$0x208] =	vst v3;
	v1 =	vmul.f32 v4, v0  }
0x36: {  	v2 =	vmul.f32 v2, v0  }
0x37: {  	[tilespmem:$0x228] =	vst v1  }
0x38: {  	[tilespmem:$0x218] =	vst v2  }
0x39: {  	[hbm4b:s8+s2] =	stream.linear.scatter [tilespmem:s9], [sflag:$0x2], $0x40, $0x38;
	[tilespmem:$0x248] =	vst v63  }
0x3a: {  	_ =	swait.ge [sflag:s3], $0x40  }
0x3b: {  	[sflag:s3] =	ssyncset.done $0x0  }
0x3c: {  	[sflag:s3] =	ssyncadd.s32 $0xFFFFFFC0;
	_ =	sdelay $0x1  }
0x3d: {  	[tilespmem:s2], [sflag:$0x2] =	stream.linear.gather [hbm4b:s4+s2], $0x8, $0x38;
	[tilespmem:$0x248] =	vst v63  }
0x3e: {  	_ =	swait.ge [sflag:s3], $0x8  }
0x3f: {  	[sflag:s3] =	ssyncset.done $0x0  }
0x40: {  	[sflag:s3] =	ssyncadd.s32 $0xFFFFFFF8  }
0x41: {  	[tilespmem:s6], [sflag:$0x1] =	stream.indirect.gather [hbm4b:s5+s6], $0x40, s2, s6, $0xb8;
	[tilespmem:$0x248] =	vst v63  }
0x42: {  	_ =	swait.ge [sflag:s7], $0x200  }
0x43: {  	[sflag:s7] =	ssyncset.done $0x0  }
0x44: {  	[sflag:s7] =	ssyncadd.s32 $0xFFFFFE00  }
0x45: {  	v3 =	vld [tilespmem:$0x138]  }
0x46: {  	v1 =	vld [tilespmem:$0x1B8]  }
0x47: {  	v2 =	vld [tilespmem:$0xD8]  }
0x48: {  	v15 =	vld [tilespmem:$0xF8]  }
0x49: {  	v8 =	vld [tilespmem:$0x88]  }
0x4a: {  	v12 =	vld [tilespmem:$0x98]  }
0x4b: {  	v11 =	vld [tilespmem:$0xB8]  }
0x4c: {  	v14 =	vld [tilespmem:$0xE8]  }
0x4d: {  	v6 =	vld [tilespmem:$0xA8]  }
0x4e: {  	v9 =	vld [tilespmem:$0x78]  }
0x4f: {  	v4 =	vld [tilespmem:$0x68]  }
0x50: {  	v10 =	vld [tilespmem:$0x58]  }
0x51: {  	v13 =	vld [tilespmem:$0x8]  }
0x52: {  	v16 =	vld [tilespmem:$0x28]  }
0x53: {  	v17 =	vld [tilespmem:$0x38]  }
0x54: {  	v18 =	vld [tilespmem:$0x18]  }
0x55: {  	v19 =	vld [tilespmem:$0x48]  }
0x56: {  	v7 =	vld [tilespmem:$0xC8]  }
0x57: {  	v5 =	vld [tilespmem:$0x118];
	v16 =	vadd.f32 v4, v16  }
0x58: {  	v4 =	vld [tilespmem:$0x168];
	v17 =	vadd.f32 v9, v17  }
.Ltmp1:
0x59: {  	v18 =	vadd.f32 v10, v18;
	v9 =	vld [tilespmem:$0x178];
	(pc) =	sbr.rel @p0 .LBB2_1-.Ltmp1, $4  }
0x5a: {  	v16 =	vadd.f32 v6, v16;
	v19 =	vadd.f32 v19, v13;
	v10 =	vld [tilespmem:$0x108]  }
0x5b: {  	v17 =	vadd.f32 v11, v17;
	v6 =	vld [tilespmem:$0x158]  }
0x5c: {  	v13 =	vadd.f32 v12, v18;
	v12 =	vadd.f32 v14, v16;
	v11 =	vld [tilespmem:$0x148]  }
0x5d: {  	v14 =	vadd.f32 v8, v19;
	v15 =	vadd.f32 v15, v17;
	v8 =	vld [tilespmem:$0x198]  }
.LBB2_2:
0x5e: {  	v16 =	vld [tilespmem:$0x128]  }
0x5f: {  	v54 =	vld [tilespmem:$0x1A8];
	v2 =	vadd.f32 v2, v13  }
0x60: {  	v55 =	vld [tilespmem:$0x188];
	v7 =	vadd.f32 v7, v14;
	v3 =	vadd.f32 v3, v15  }
0x61: {  	v56 =	vld [tilespmem:$0x1F8];
	v2 =	vadd.f32 v5, v2  }
0x62: {  	v59 =	vld [tilespmem:$0x1D8];
	v7 =	vadd.f32 v10, v7;
	v3 =	vadd.f32 v9, v3  }
0x63: {  	v57 =	vld [tilespmem:$0x1C8];
	v2 =	vadd.f32 v6, v2;
	v12 =	vadd.f32 v16, v12  }
0x64: {  	v58 =	vld [tilespmem:$0x1E8];
	v7 =	vadd.f32 v11, v7;
	v1 =	vadd.f32 v1, v3  }
0x65: {  	v2 =	vadd.f32 v8, v2;
	v4 =	vadd.f32 v4, v12  }
0x66: {  	v7 =	vadd.f32 v55, v7;
	v1 =	vadd.f32 v56, v1  }
0x67: {  	v2 =	vadd.f32 v59, v2;
	v4 =	vadd.f32 v54, v4  }
0x68: {  	v60 =	vadd.f32 v57, v7;
	v1 =	vmul.f32 v1, v0  }
0x69: {  	v63 =	vmul.f32 v2, v0;
	v4 =	vadd.f32 v58, v4  }
0x6a: {  	v61 =	vmul.f32 v60, v0;
	[tilespmem:$0x238] =	vst v1  }
0x6b: {  	[tilespmem:$0x218] =	vst v63;
	v62 =	vmul.f32 v4, v0  }
0x6c: {  	[tilespmem:$0x208] =	vst v61  }
0x6d: {  	[tilespmem:$0x228] =	vst v62  }
0x6e: {  	[hbm4b:s8+s2] =	stream.linear.scatter [tilespmem:s9], [sflag:$0x2], $0x40, $0x38;
	[tilespmem:$0x248] =	vst v63  }
0x6f: {  	_ =	swait.ge [sflag:s3], $0x40  }
0x70: {  	[sflag:s3] =	ssyncset.done $0x0  }
0x71: {  	[sflag:s3] =	ssyncadd.s32 $0xFFFFFFC0  }
0x72: {  	_ =	sfence.sel $0x180000  }
0x73: {  	[bflag:$0x0] =	sbarrier.arrive $0xFFFF  }
0x74: {  	p0 =	sne.s32 s0, $0x0;
	_ =	strace $0x90000047  }
0x75: {  	s0 =	sadd.s32 @!p0 $0x100000, s1;
	[bflag:$0x2] =	sbarrier.arrive $0xFFFF  }
0x76: {  	[sflag:s0] =	ssyncadd.tile.s32 @!p0 $0x1;
	_ =	shalt  }
.Lfunc_end2:
_tile_overlayer_lowered:
.L_overlay_start_2:
0x77: {  	(tag) =	ssettag $0x2  }
0x78: {  	s0 =	rddreg [dreg:$0x0];
	s2 =	stileid.u32  }
0x79: {  	s1 =	rddreg [dreg:$0x1];
	p0 =	sne.s32 s2, $0x0  }
0x7a: {  	s3 =	rddreg [dreg:$0x2];
	[bflag:$0x3] =	sbarrier.arrive $0xFFFF;
	s2 =	simm.s32 @!p0 $0x1C02  }
0x7b: {  	[timem:s3], [sflag:s2] =	dma.local @!p0 [hbm:s0], s1  }
0x7c: {  	s0 =	simm.s32 @!p0 $0x2  }
0x7d: {  	_ =	swait.ge @!p0 [sflag:s0], s1  }
0x7e: {  	s1 =	ssub.s32 @!p0 $0x0, s1;
	[sflag:s0] =	ssyncset.done @!p0 $0x0  }
0x7f: {  	[sflag:s0] =	ssyncadd.s32 @!p0 s1  }
0x80: {  	[bflag:$0x3] =	sbarrier.arrive $0xFFFF  }
0x81: {  	_ =	shalt  }

</sc_bundles>
